<compile_context>
chip_gen: v7x
topology: tpu7x:2x2x1
jax: 0.10.2.dev20260603
libtpu: 0.0.44.dev20260713+nightly
codegen_flags: <defaults>
</compile_context>

<pallas_src>
import functools

import jax
import jax.numpy as jnp
from jax import lax
from jax.experimental import pallas as pl
from jax.experimental.pallas import tpu as pltpu
from jax.experimental.pallas import tpu_sc as plsc

_B = 16
_NUM_FEA = 1024
_D_POINT = 128
_D_FRAME = 256

_info = plsc.get_sparse_core_info()
_NC = _info.num_cores
_NS = _info.num_subcores
_NW = _NC * _NS

_FD = _B * _D_FRAME
_PD = _B * _NUM_FEA * _D_POINT
_POS = _B * _NUM_FEA * 3


def _store_body(fd_in, pd_in, pos_in, fd_out, pd_out, pos_out):
    wid = lax.axis_index("s") * _NC + lax.axis_index("c")
    pdw = _PD // _NW
    posw = _POS // _NW
    fdw = _FD // _NW
    pltpu.sync_copy(pd_in.at[pl.ds(wid * pdw, pdw)], pd_out.at[pl.ds(wid * pdw, pdw)])
    pltpu.sync_copy(pos_in.at[pl.ds(wid * posw, posw)], pos_out.at[pl.ds(wid * posw, posw)])
    pltpu.sync_copy(fd_in.at[pl.ds(wid * fdw, fdw)], fd_out.at[pl.ds(wid * fdw, fdw)])


_sc_store = functools.partial(
    pl.kernel,
    mesh=plsc.VectorSubcoreMesh(core_axis_name="c", subcore_axis_name="s"),
    out_type=[
        jax.ShapeDtypeStruct((_FD,), jnp.float32),
        jax.ShapeDtypeStruct((_PD,), jnp.float32),
        jax.ShapeDtypeStruct((_POS,), jnp.float32),
    ],
)(_store_body)


def kernel(frame_desc, point_desc, pos, fd_buf, pd_buf, pos_buf, kf_desc_idx, kf_pos_idx):
    out_fd, out_pd, out_pos = _sc_store(
        frame_desc.reshape(_FD), point_desc.reshape(_PD), pos.reshape(_POS))
    return (out_fd.reshape(_B, _D_FRAME),
            out_pd.reshape(_B, _NUM_FEA, _D_POINT),
            out_pos.reshape(_B, _NUM_FEA, 3))

# --- scband reference (transcript-rebuilt; emitter-appended) ---
"""Pipeline reference for scband-memory-80307298500785 (READ-ONLY COPY).

The authoritative reference and input builder live on the scoring server;
editing this copy changes nothing except your own understanding.
"""

import jax, jax.numpy as jnp
import numpy as np

B = 16
NUM_FEA = 1024
D_POINT = 128
D_FRAME = 256
CAP = 262144
KF_CAP = 8192


def setup_inputs(seed: int = 0) -> dict:
    key = jax.random.key(seed)
    k1, k2, k3 = jax.random.split(key, 3)
    frame_desc = jax.random.normal(k1, (B, D_FRAME), dtype=jnp.float32)
    point_desc = jax.random.normal(k2, (B, NUM_FEA, D_POINT), dtype=jnp.float32)
    pos = jax.random.normal(k3, (B, NUM_FEA, 3), dtype=jnp.float32)
    # persistent memory buffers (module state / registered buffers)
    fd_buf = jnp.zeros((KF_CAP, D_FRAME), dtype=jnp.float32)
    pd_buf = jnp.zeros((CAP, D_POINT), dtype=jnp.float32)
    pos_buf = jnp.zeros((CAP, 3), dtype=jnp.float32)
    kf_desc_idx = jnp.full((KF_CAP, NUM_FEA), -1, dtype=jnp.int32)
    kf_pos_idx = jnp.full((KF_CAP, NUM_FEA), -1, dtype=jnp.int32)
    return {
        "frame_desc": frame_desc,
        "point_desc": point_desc,
        "pos": pos,
        "fd_buf": fd_buf,
        "pd_buf": pd_buf,
        "pos_buf": pos_buf,
        "kf_desc_idx": kf_desc_idx,
        "kf_pos_idx": kf_pos_idx,
    }


def reference(frame_desc, point_desc, pos, fd_buf, pd_buf, pos_buf, kf_desc_idx, kf_pos_idx):
    # KeyFrameStore.store with n_frame = n_desc = n_point = 0, merge=False (default).
    Bn, Df = frame_desc.shape
    N = point_desc.shape[1]
    Dp = point_desc.shape[2]

    # store frame descriptors: self._fd[fd_addr] = frame_desc
    fd_addr = jnp.arange(Bn, dtype=jnp.int32)
    fd_buf = fd_buf.at[fd_addr].set(frame_desc)

    # _store_desc: scatter point descriptors into the point-descriptor memory
    pd_flat = point_desc.reshape(-1, Dp)
    pd_idx = jnp.arange(Bn * N, dtype=jnp.int32)
    pd_buf = pd_buf.at[pd_idx].set(pd_flat)
    kf_desc_idx = kf_desc_idx.at[fd_addr].set(pd_idx.reshape(Bn, N))

    # _store_pos (merge=False path): all points unmerged, scatter into position memory
    pos_flat = pos.reshape(-1, 3)
    w_addr = jnp.arange(Bn * N, dtype=jnp.int32)
    pos_buf = pos_buf.at[w_addr].set(pos_flat)
    # _link_points: self._kf_pos_idx[fd_addr] = pos_addr
    kf_pos_idx = kf_pos_idx.at[fd_addr].set(w_addr.reshape(Bn, N))

    # __getitem__ read-back of the just-stored frames (gather through index tables)
    out_fd = fd_buf[fd_addr]
    out_pd = pd_buf[kf_desc_idx[fd_addr]]
    out_pos = pos_buf[kf_pos_idx[fd_addr]]
    return (out_fd, out_pd, out_pos)

if __name__ == "__main__":
    import jax
    _d = setup_inputs()
    print(jax.jit(kernel)(*tuple(_d.values())))

</pallas_src>

<mosaic_0001>
#map = affine_map<(d0, d1) -> (0)>
module attributes {stable_mosaic.version = 14 : i64} {
  func.func @_store_body(%arg0: i32, %arg1: i32, %arg2: memref<4096xf32, #tpu.memory_space<hbm>>, %arg3: memref<2097152xf32, #tpu.memory_space<hbm>>, %arg4: memref<49152xf32, #tpu.memory_space<hbm>>, %arg5: memref<4096xf32, #tpu.memory_space<hbm>>, %arg6: memref<2097152xf32, #tpu.memory_space<hbm>>, %arg7: memref<49152xf32, #tpu.memory_space<hbm>>) attributes {dimension_semantics = [#tpu.dimension_semantics<core_parallel>, #tpu.dimension_semantics<subcore_parallel>], iteration_bounds = array<i64: 2, 16>, scalar_prefetch = 0 : i64, scratch_operands = 0 : i64, tpu.core_type = #tpu.core_type<sc_vector_subcore>, window_params = [{transform_indices = #map}, {transform_indices = #map}, {transform_indices = #map}, {transform_indices = #map}, {transform_indices = #map}, {transform_indices = #map}]} {
    %mul3A = arith.constant 2 : i32
    %mul3A_0 = arith.muli %arg1, %mul3A : i32
    %add3A = arith.addi %mul3A_0, %arg0 : i32
    %mul3A_1 = arith.constant 65536 : i32
    %mul3A_2 = arith.muli %add3A, %mul3A_1 : i32
    %mul3A_3 = arith.constant 65536 : i32
    %mul3A_4 = arith.muli %add3A, %mul3A_3 : i32
    "tpu.region"() ({
      %run_scoped3A = tpu.sem_alloc : memref<!tpu.dma_semaphore, #tpu.memory_space<semaphore_mem>>
      %dma_start3A = tpu.memref_slice %arg6[%mul3A_4] : memref<2097152xf32, #tpu.memory_space<hbm>> -> memref<65536xf32, #tpu.memory_space<hbm>>
      %dma_start3A_13 = tpu.memref_slice %arg3[%mul3A_2] : memref<2097152xf32, #tpu.memory_space<hbm>> -> memref<65536xf32, #tpu.memory_space<hbm>>
      tpu.enqueue_dma source(%dma_start3A_13 : memref<65536xf32, #tpu.memory_space<hbm>>) target(%dma_start3A : memref<65536xf32, #tpu.memory_space<hbm>>) target_semaphore(%run_scoped3A : memref<!tpu.dma_semaphore, #tpu.memory_space<semaphore_mem>>)
      %dma_wait3A = tpu.memref_slice %arg6[%mul3A_4] : memref<2097152xf32, #tpu.memory_space<hbm>> -> memref<65536xf32, #tpu.memory_space<hbm>>
      %dma_wait3A_14 = tpu.memref_slice %arg3[%mul3A_2] : memref<2097152xf32, #tpu.memory_space<hbm>> -> memref<65536xf32, #tpu.memory_space<hbm>>
      tpu.wait_dma2 semaphore(%run_scoped3A : memref<!tpu.dma_semaphore, #tpu.memory_space<semaphore_mem>>) src(%dma_wait3A_14 : memref<65536xf32, #tpu.memory_space<hbm>>) dst(%dma_wait3A : memref<65536xf32, #tpu.memory_space<hbm>>)
      tpu.yield
    }) : () -> ()
    %mul3A_5 = arith.constant 1536 : i32
    %mul3A_6 = arith.muli %add3A, %mul3A_5 : i32
    %mul3A_7 = arith.constant 1536 : i32
    %mul3A_8 = arith.muli %add3A, %mul3A_7 : i32
    "tpu.region"() ({
      %run_scoped3A = tpu.sem_alloc : memref<!tpu.dma_semaphore, #tpu.memory_space<semaphore_mem>>
      %dma_start3A = tpu.memref_slice %arg7[%mul3A_8] : memref<49152xf32, #tpu.memory_space<hbm>> -> memref<1536xf32, #tpu.memory_space<hbm>>
      %dma_start3A_13 = tpu.memref_slice %arg4[%mul3A_6] : memref<49152xf32, #tpu.memory_space<hbm>> -> memref<1536xf32, #tpu.memory_space<hbm>>
      tpu.enqueue_dma source(%dma_start3A_13 : memref<1536xf32, #tpu.memory_space<hbm>>) target(%dma_start3A : memref<1536xf32, #tpu.memory_space<hbm>>) target_semaphore(%run_scoped3A : memref<!tpu.dma_semaphore, #tpu.memory_space<semaphore_mem>>)
      %dma_wait3A = tpu.memref_slice %arg7[%mul3A_8] : memref<49152xf32, #tpu.memory_space<hbm>> -> memref<1536xf32, #tpu.memory_space<hbm>>
      %dma_wait3A_14 = tpu.memref_slice %arg4[%mul3A_6] : memref<49152xf32, #tpu.memory_space<hbm>> -> memref<1536xf32, #tpu.memory_space<hbm>>
      tpu.wait_dma2 semaphore(%run_scoped3A : memref<!tpu.dma_semaphore, #tpu.memory_space<semaphore_mem>>) src(%dma_wait3A_14 : memref<1536xf32, #tpu.memory_space<hbm>>) dst(%dma_wait3A : memref<1536xf32, #tpu.memory_space<hbm>>)
      tpu.yield
    }) : () -> ()
    %mul3A_9 = arith.constant 128 : i32
    %mul3A_10 = arith.muli %add3A, %mul3A_9 : i32
    %mul3A_11 = arith.constant 128 : i32
    %mul3A_12 = arith.muli %add3A, %mul3A_11 : i32
    "tpu.region"() ({
      %run_scoped3A = tpu.sem_alloc : memref<!tpu.dma_semaphore, #tpu.memory_space<semaphore_mem>>
      %dma_start3A = tpu.memref_slice %arg5[%mul3A_12] : memref<4096xf32, #tpu.memory_space<hbm>> -> memref<128xf32, #tpu.memory_space<hbm>>
      %dma_start3A_13 = tpu.memref_slice %arg2[%mul3A_10] : memref<4096xf32, #tpu.memory_space<hbm>> -> memref<128xf32, #tpu.memory_space<hbm>>
      tpu.enqueue_dma source(%dma_start3A_13 : memref<128xf32, #tpu.memory_space<hbm>>) target(%dma_start3A : memref<128xf32, #tpu.memory_space<hbm>>) target_semaphore(%run_scoped3A : memref<!tpu.dma_semaphore, #tpu.memory_space<semaphore_mem>>)
      %dma_wait3A = tpu.memref_slice %arg5[%mul3A_12] : memref<4096xf32, #tpu.memory_space<hbm>> -> memref<128xf32, #tpu.memory_space<hbm>>
      %dma_wait3A_14 = tpu.memref_slice %arg2[%mul3A_10] : memref<4096xf32, #tpu.memory_space<hbm>> -> memref<128xf32, #tpu.memory_space<hbm>>
      tpu.wait_dma2 semaphore(%run_scoped3A : memref<!tpu.dma_semaphore, #tpu.memory_space<semaphore_mem>>) src(%dma_wait3A_14 : memref<128xf32, #tpu.memory_space<hbm>>) dst(%dma_wait3A : memref<128xf32, #tpu.memory_space<hbm>>)
      tpu.yield
    }) : () -> ()
    return
  }
}

</mosaic_0001>

<sc_bundles>
// kernel: kernel.3.cloned.1.call-start
scs
__scs_entry_jumppad:
0x0: {  	(pc) =	sbr.rel $0x88, $3  }
0x1: {  	(tag) =	ssettag $0x0;
	lr =	simm.s32 $0x1  }
0x2: {  	[smem:$0x3F9E] =	sst lr;
	_ =	strace $0xD0000000  }
0x3: {  	_ = 	snop  }
0x4: {  	_ = 	snop  }
0x5: {  	_ = 	snop  }
0x6: {  	_ = 	snop  }
0x7: {  	_ = 	snop  }
__scs_overlays_trampoline_lowered:
0x8: {  	[smem:$0x3FAD] =	sst s0  }
0x9: {  	[smem:$0x3FAE] =	sst s1  }
0xa: {  	[smem:$0x3FAF] =	sst s2  }
0xb: {  	[smem:$0x3FB0] =	sst s3  }
0xc: {  	[smem:$0x3FB1] =	sst s4  }
0xd: {  	[smem:$0x3FB2] =	sst s5  }
0xe: {  	[smem:$0x3FB3] =	sst s6  }
0xf: {  	[smem:$0x3FB4] =	sst s7  }
0x10: {  	[smem:$0x3FB5] =	sst s8  }
0x11: {  	[smem:$0x3FB6] =	sst s9;
	s0 =	simm.s32 @!p0 $0x0  }
0x12: {  	s1 =	sld [smem:$0x3F9C];
	s0 =	simm.s32 @p0 $0x1  }
0x13: {  	[smem:$0x3FB7] =	sst s0;
	s0 =	simm.s32 @!p1 $0x0  }
0x14: {  	s2 =	sld [smem:$0x3F9B];
	s0 =	simm.s32 @p1 $0x1  }
0x15: {  	[smem:$0x3FB8] =	sst s0;
	s0 =	simm.s32 @!p2 $0x0  }
0x16: {  	s3 =	sld [smem:$0x3FDB];
	s0 =	simm.s32 @p2 $0x1  }
0x17: {  	s4 =	simm.s32 $0x1BF5;
	[smem:$0x3FBA] =	sst s0  }
0x18: {  	s0 =	sld [smem:$0x3F9D];
	_ =	swait.ge [sflag:s4], $0x0  }
0x19: {  	s7 =	sld [smem:$0x3F9E]  }
0x1a: {  	s8 =	sadd.s32 $0xFFFFE003, lr  }
0x1b: {  	s9 =	sadd.s32 $0xFFFFFEF7, lr;
	s5 =	simm.s32 $0xFFFFFFFF;
	p2 =	slt.u32 s8, $0xFFFFF086  }
0x1c: {  	p1 =	slt.u32 s9, $0xF7A;
	s5 =	simm.s32 @!p2 $0x0  }
0x1d: {  	s5 =	simm.s32 @p1 $0x1;
	p0 =	seq.s32 s7, s2  }
0x1e: {  	s7 =	smul.u32 @!p0 $0xF7A, s2;
	p2 =	seq.s32 @!p0 s5, $0x0  }
0x1f: {  	s9 =	smul.u32 $0xF7A, s1;
	s8 =	simm.s32 @!p0 $0x1BF5;
	p2 =	por !p2, p0  }
0x20: {  	[sflag:s8] =	ssyncset.s32 @!p0 $0xFFFFF086;
	s6 =	sadd.s32 @!p0 s3, s7;
	s7 =	simm.s32 @!p0 $0x108  }
0x21: {  	s3 =	sadd.s32 s3, s9;
	s6 =	sadd.s32 @!p0 $0x88, s6;
	s7 =	simm.s32 @p2 $0x1082  }
0x22: {  	[simem:s7], [sflag:s8] =	dma.local @!p0 [hbm:s6], $0xF7A  }
0x23: {  	s9 =	sor.u32 $0xD0000000, s2;
	s6 =	simm.s32 $0x108;
	_ =	swait.ge @!p0 [sflag:s8], $0x0  }
0x24: {  	s3 =	sadd.s32 $0x88, s3;
	s6 =	simm.s32 @!p1 $0x1082;
	[sflag:s4] =	ssyncset.s32 $0xFFFFF086  }
0x25: {  	[simem:s6], [sflag:s4] =	dma.local [hbm:s3], $0xF7A  }
0x26: {  	[smem:$0x3F9E] =	sst s1;
	(tag) =	ssettag s2;
	_ =	strace s9  }
0x27: {  	s1 =	sld [smem:$0x3FAE]  }
0x28: {  	s2 =	sld [smem:$0x3FAF]  }
0x29: {  	s4 =	sld [smem:$0x3FB1]  }
0x2a: {  	p0 =	seq.s32 s5, $0x0;
	s5 =	sld [smem:$0x3FB2]  }
0x2b: {  	s6 =	sld [smem:$0x3FB3]  }
0x2c: {  	s7 =	sld [smem:$0x3FB4]  }
0x2d: {  	s3 =	simm.s32 $0x108;
	s8 =	sld [smem:$0x3FB5]  }
0x2e: {  	s3 =	simm.s32 @!p0 $0x1082;
	s9 =	sld [smem:$0x3FB6]  }
0x2f: {  	lr =	sadd.s32 s0, s3;
	s0 =	sld [smem:$0x3FAD]  }
0x30: {  	s3 =	sld [smem:$0x3FB0]  }
0x31: {  	[smem:$0x3FB9] =	sst s10  }
0x32: {  	s10 =	sld [smem:$0x3FB7];
	_ =	sdelay $0x3  }
0x33: {  	p0 =	seq.s32 s10, $0x1;
	s10 =	sld [smem:$0x3FB9];
	_ =	sdelay $0x3  }
0x34: {  	[smem:$0x3FB9] =	sst s10  }
0x35: {  	s10 =	sld [smem:$0x3FB8];
	_ =	sdelay $0x3  }
0x36: {  	p1 =	seq.s32 s10, $0x1;
	s10 =	sld [smem:$0x3FB9];
	_ =	sdelay $0x3  }
0x37: {  	[smem:$0x3FB9] =	sst s10  }
0x38: {  	s10 =	sld [smem:$0x3FBA]  }
0x39: {  	_ = 	snop;
	(pc) =	sbr.ind lr, $3  }
0x3a: {  	_ = 	snop  }
0x3b: {  	_ = 	snop  }
0x3c: {  	p2 =	seq.s32 s10, $0x1;
	s10 =	sld [smem:$0x3FB9]  }
0x3d: {  	_ =	shalt  }
0x3e: {  	_ =	shalt  }
0x3f: {  	_ =	shalt  }
0x40: {  	_ =	shalt  }
0x41: {  	_ =	shalt  }
0x42: {  	_ =	shalt  }
0x43: {  	_ =	shalt  }
0x44: {  	_ =	shalt  }
0x45: {  	_ =	shalt  }
0x46: {  	_ =	shalt  }
0x47: {  	_ =	shalt  }
0x48: {  	_ =	shalt  }
0x49: {  	_ =	shalt  }
0x4a: {  	_ =	shalt  }
0x4b: {  	_ =	shalt  }
0x4c: {  	_ =	shalt  }
0x4d: {  	_ =	shalt  }
0x4e: {  	_ =	shalt  }
0x4f: {  	_ =	shalt  }
0x50: {  	_ =	shalt  }
0x51: {  	_ =	shalt  }
0x52: {  	_ =	shalt  }
0x53: {  	_ =	shalt  }
0x54: {  	_ =	shalt  }
0x55: {  	_ =	shalt  }
0x56: {  	_ =	shalt  }
0x57: {  	_ =	shalt  }
0x58: {  	_ =	shalt  }
0x59: {  	_ =	shalt  }
0x5a: {  	_ =	shalt  }
0x5b: {  	_ =	shalt  }
0x5c: {  	_ =	shalt  }
0x5d: {  	_ =	shalt  }
0x5e: {  	_ =	shalt  }
0x5f: {  	_ =	shalt  }
0x60: {  	_ =	shalt  }
0x61: {  	_ =	shalt  }
0x62: {  	_ =	shalt  }
0x63: {  	_ =	shalt  }
0x64: {  	_ =	shalt  }
0x65: {  	_ =	shalt  }
0x66: {  	_ =	shalt  }
0x67: {  	_ =	shalt  }
0x68: {  	_ =	shalt  }
0x69: {  	_ =	shalt  }
0x6a: {  	_ =	shalt  }
0x6b: {  	_ =	shalt  }
0x6c: {  	_ =	shalt  }
0x6d: {  	_ =	shalt  }
0x6e: {  	_ =	shalt  }
0x6f: {  	_ =	shalt  }
0x70: {  	_ =	shalt  }
0x71: {  	_ =	shalt  }
0x72: {  	_ =	shalt  }
0x73: {  	_ =	shalt  }
0x74: {  	_ =	shalt  }
0x75: {  	_ =	shalt  }
0x76: {  	_ =	shalt  }
0x77: {  	_ =	shalt  }
0x78: {  	_ =	shalt  }
0x79: {  	_ =	shalt  }
0x7a: {  	_ =	shalt  }
0x7b: {  	_ =	shalt  }
0x7c: {  	_ =	shalt  }
0x7d: {  	_ =	shalt  }
0x7e: {  	_ =	shalt  }
0x7f: {  	_ =	shalt  }
0x80: {  	_ =	shalt  }
0x81: {  	_ =	shalt  }
0x82: {  	_ =	shalt  }
0x83: {  	_ =	shalt  }
0x84: {  	_ =	shalt  }
0x85: {  	_ =	shalt  }
0x86: {  	_ =	shalt  }
0x87: {  	_ =	shalt  }
.Lfunc_end0:
.L_simem_size_0:
called_computation_lowered:
.L_overlay_start_0:
0x88: {  	s2 =	sld [smem:$0x3FD9]  }
0x89: {  	s3 =	sld [smem:$0x3FFE];
	_ =	sdelay $0x1  }
0x8a: {  	s1 =	srdreg.scid  }
0x8b: {  	s0 =	sand.u32 $0x1, s1  }
0x8c: {  	s14 =	sshll.u32 s0, $0xA;
	s2 =	sadd.s32 s3, s2  }
0x8d: {  	s2 =	sadd.s32 s2, s14  }
0x8e: {  	[smem:$0x3FC5] =	sst s2  }
0x8f: {  	_ = 	snop  }
0x90: {  	s2 =	sld [smem:$0x3FD0];
	_ =	sdelay $0x2  }
0x91: {  	s4 =	simm.s32 $0xA;
	s5 =	simm.s32 $0x10;
	s15 =	sld [smem:$0x3FC8]  }
0x92: {  	[smem:s5], [sflag:s4] =	dma.local [hbm:s2], $0x1  }
0x93: {  	_ =	swait.eq [sflag:s4], $0x1  }
0x94: {  	s16 =	sld [smem:$0x10];
	[sflag:s4] =	ssyncset.done $0x0  }
0x95: {  	s17 =	sld [smem:$0x11];
	[sflag:s4] =	ssyncadd.s32 $0xFFFFFFFF  }
0x96: {  	s18 =	sld [smem:$0x12];
	(tm) =	ssettm $0x1  }
0x97: {  	s6 =	sld [smem:$0x3FFB];
	_ =	sdelay $0x3  }
0x98: {  	_ =	strace s6  }
0x99: {  	s6 =	sld [smem:$0x3FFC];
	_ =	sdelay $0x3  }
0x9a: {  	_ =	strace s6  }
0x9b: {  	s6 =	sld [smem:$0x3FFD];
	_ =	sdelay $0x3  }
0x9c: {  	_ =	strace s6  }
0x9d: {  	_ =	strace $0x8FFFFFFF  }
0x9e: {  	s19 =	sld [smem:$0x3FDB];
	_ =	sdelay $0x1  }
0x9f: {  	s7 =	simm.s32 $_scs_section_size  }
0xa0: {  	s8 =	simm.s32 $_size__tile_overlayer_lowered;
	s9 =	simm.s32 $_tile_overlayer_lowered  }
0xa1: {  	s22 =	simm.s32 $0x1BFF;
	s21 =	sshll.u32 s9, $0x1;
	s6 =	sadd.s32 s7, s19  }
0xa2: {  	s10 =	simm.s32 $0x0;
	s20 =	sshll.u32 s8, $0x1;
	s8 =	sadd.s32 s21, s6  }
0xa3: {  	[timem:s10], [sflag:s22] =	dma.local [hbm:s8], s20  }
0xa4: {  	_ =	swait.ge [sflag:s22], s20  }
0xa5: {  	s7 =	ssub.s32 $0x0, s20;
	[sflag:s22] =	ssyncset.done $0x0  }
0xa6: {  	[sflag:s22] =	ssyncadd.s32 s7;
	_ =	sdelay $0x1  }
0xa7: {  	s23 =	simm.s32 $0x1B8B  }
0xa8: {  	_ =	swait.ge [sflag:s23], $0x1  }
0xa9: {  	[sflag:s23] =	ssyncset.done $0x0  }
0xaa: {  	s25 =	simm.s32 $0x1B8E;
	s24 =	sld [smem:$0x3FFE];
	[sflag:s23] =	ssyncadd.s32 $0xFFFFFFFF  }
0xab: {  	s26 =	simm.s32 $execute0_lowered;
	[smem:$0x3FD2] =	sst s25  }
0xac: {  	s8 =	sshll.u32 s26, $0x1;
	_ =	strace $0x80000046;
	[dreg:$0x1] =	wrdreg $0xFFFFFFFF  }
0xad: {  	s28 =	simm.s32 $_size_execute0_lowered;
	s6 =	sadd.s32 s6, s8;
	[dreg:$0x0] =	wrdreg $0x0  }
0xae: {  	s8 =	sshll.u32 s28, $0x1;
	[dreg:$0x2] =	wrdreg s6  }
0xaf: {  	[dreg:$0x3] =	wrdreg s8  }
0xb0: {  	[dreg:$0x4] =	wrdreg $0xC0  }
0xb1: {  	_ =	task [dreg:s10], $0x5FFFF  }
0xb2: {  	[dreg:$0x1] =	wrdreg $0xFFFFFFFF  }
0xb3: {  	[dreg:$0x0] =	wrdreg $0x60  }
0xb4: {  	[dreg:$0x2] =	wrdreg s16  }
0xb5: {  	[dreg:$0x3] =	wrdreg s15  }
0xb6: {  	[dreg:$0x4] =	wrdreg s18  }
0xb7: {  	[dreg:$0x5] =	wrdreg s24  }
0xb8: {  	[dreg:$0x6] =	wrdreg s17  }
0xb9: {  	[dreg:$0x7] =	wrdreg $0x9  }
0xba: {  	_ =	task.clear_ibuf [dreg:s10], $0x8FFFF;
	_ =	strace $0x90000046  }
0xbb: {  	s29 =	simm.s32 $0x9;
	_ =	strace $0x80000048  }
0xbc: {  	_ =	swait.ge [sflag:s29], $0x1  }
0xbd: {  	[sflag:s29] =	ssyncadd.s32 $0xFFFFFFFF  }
0xbe: {  	_ =	strace $0x90000048  }
0xbf: {  	_ =	sfence  }
0xc0: {  	s30 =	sld [smem:$0x0];
	_ =	sdelay $0x2  }
0xc1: {  	s31 =	sshll.u32 s1, $0xD;
	s1 =	sshrl.u32 s1, $0x2  }
0xc2: {  	s3 =	sand.u32 $0x4000, s31;
	s1 =	sadd.s32 s1, s30  }
0xc3: {  	s0 =	sor.u32 s3, s0;
	s1 =	sshll.u32 s1, $0x11  }
0xc4: {  	s0 =	sor.u32 s1, s0  }
0xc5: {  	s0 =	sadd.s32 $0x8F2B, s0  }
0xc6: {  	[sflag:s0] =	ssyncadd.remote.s32 $0x1  }
0xc7: {  	_ =	sfence.sel $0xFFFF  }
0xc8: {  	[dreg:$0x0] =	wrdreg $0xFFFFFFFF;
	(pc) =	sbr.abs _section_cstart, $3  }
0xc9: {  	[dreg:$0x1] =	wrdreg $0xFFFFFFFF  }
0xca: {  	_ =	task.clear_ibuf [dreg:s10], $0x2FFFF;
	_ =	strace $0x9FFFFFFF  }
0xcb: {  	(tm) =	ssettm $0x7FFFFFFF  }
tec
execute0_lowered:
.L_overlay_start_1:
0x0: {  	(tag) =	ssettag $0x1  }
0x1: {  	s9 =	rddreg [dreg:$0x0]  }
0x2: {  	s3 =	rddreg [dreg:$0x1]  }
0x3: {  	s7 =	rddreg [dreg:$0x2]  }
0x4: {  	s8 =	rddreg [dreg:$0x3]  }
0x5: {  	s2 =	rddreg [dreg:$0x4]  }
0x6: {  	s0 =	rddreg [dreg:$0x5];
	s4 =	srdreg.scid  }
0x7: {  	s1 =	stileid.u32;
	s5 =	simm.s32 $0x0;
	s6 =	sand.u32 $0x1, s4  }
0x8: {  	s28 =	sshll.u32 s1, $0x1;
	[smem:$0x7FF] =	sst s5;
	s29 =	sshll.u32 s1, $0x6  }
0x9: {  	s10 =	sor.u32 s6, s28;
	_ =	strace $0x80000047;
	s5 =	sor.u32 $0x1C01, s29  }
0xa: {  	s13 =	ssub.s32 $0x2, s6;
	s4 =	sshll.u32 s10, $0xD;
	s11 =	smul.u32 $0xC0, s10  }
0xb: {  	s2 =	sadd.s32 s2, s4;
	s3 =	sadd.s32 s3, s4;
	s4 =	simm.s32 $0x1  }
0xc: {  	[hbm:s2], [sflag:s5] =	dma.local [hbm:s3], $0x2000  }
0xd: {  	s30 =	sshrl.u32 s13, $0x1;
	s12 =	sadd.s32 s11, s8;
	_ =	swait.ge [sflag:s4], $0x2000  }
0xe: {  	s7 =	sadd.s32 s7, s11;
	s11 =	ssub.s32 s13, s30;
	[sflag:s4] =	ssyncset.done $0x0  }
0xf: {  	s6 =	sadd.s32 $0xA00, s12;
	s31 =	smax.u32 s11, $0x1;
	[sflag:s4] =	ssyncadd.s32 $0xFFFFE000  }
0x10: {  	[hbm:s6], [sflag:s5] =	dma.local [hbm:s7], $0xC0  }
0x11: {  	s10 =	sshll.u32 s10, $0x4;
	p0 =	sne.s32 s31, $0x1;
	_ =	swait.ge [sflag:s4], $0xC0  }
.Ltmp0:
0x12: {  	s8 =	sadd.s32 s10, s8;
	[sflag:s4] =	ssyncset.done $0x0;
	(pc) =	sbr.rel @!p0 .LBB2_2-.Ltmp0, $4  }
0x13: {  	s9 =	sadd.s32 s9, s10;
	s8 =	sadd.s32 $0x800, s8;
	[sflag:s4] =	ssyncadd.s32 $0xFFFFFF40  }
0x14: {  	[hbm:s8], [sflag:s5] =	dma.local [hbm:s9], $0x10  }
0x15: {  	_ =	swait.ge [sflag:s4], $0x10  }
0x16: {  	s10 =	sadd.s32 $0xFFFFFFFF, s31;
	[sflag:s4] =	ssyncset.done $0x0  }
.LBB2_1:
0x17: {  	p0 =	sne.s32 s10, $0x1;
	s10 =	sadd.s32 $0xFFFFFFFF, s10;
	[sflag:s4] =	ssyncadd.s32 $0xFFFFFFF0  }
0x18: {  	[hbm:s2], [sflag:s5] =	dma.local [hbm:s3], $0x2000  }
0x19: {  	_ =	swait.ge [sflag:s4], $0x2000  }
0x1a: {  	[sflag:s4] =	ssyncset.done $0x0  }
0x1b: {  	[sflag:s4] =	ssyncadd.s32 $0xFFFFE000  }
0x1c: {  	[hbm:s6], [sflag:s5] =	dma.local [hbm:s7], $0xC0  }
0x1d: {  	_ =	swait.ge [sflag:s4], $0xC0  }
.Ltmp1:
0x1e: {  	[sflag:s4] =	ssyncset.done $0x0;
	(pc) =	sbr.rel @p0 .LBB2_1-.Ltmp1, $4  }
0x1f: {  	[sflag:s4] =	ssyncadd.s32 $0xFFFFFF40  }
0x20: {  	[hbm:s8], [sflag:s5] =	dma.local [hbm:s9], $0x10  }
0x21: {  	_ =	swait.ge [sflag:s4], $0x10  }
0x22: {  	[sflag:s4] =	ssyncset.done $0x0  }
.LBB2_2:
0x23: {  	[sflag:s4] =	ssyncadd.s32 $0xFFFFFFF0  }
0x24: {  	_ =	sfence.sel $0x180000  }
0x25: {  	[bflag:$0x0] =	sbarrier.arrive $0xFFFF  }
0x26: {  	p0 =	sne.s32 s1, $0x0;
	_ =	strace $0x90000047  }
0x27: {  	s0 =	sadd.s32 @!p0 $0x100000, s0;
	[bflag:$0x2] =	sbarrier.arrive $0xFFFF  }
0x28: {  	[sflag:s0] =	ssyncadd.tile.s32 @!p0 $0x1;
	_ =	shalt  }
.Lfunc_end2:
_tile_overlayer_lowered:
.L_overlay_start_2:
0x29: {  	(tag) =	ssettag $0x2  }
0x2a: {  	s0 =	rddreg [dreg:$0x0];
	s2 =	stileid.u32  }
0x2b: {  	s1 =	rddreg [dreg:$0x1];
	p0 =	sne.s32 s2, $0x0  }
0x2c: {  	s3 =	rddreg [dreg:$0x2];
	[bflag:$0x3] =	sbarrier.arrive $0xFFFF;
	s2 =	simm.s32 @!p0 $0x1C01  }
0x2d: {  	[timem:s3], [sflag:s2] =	dma.local @!p0 [hbm:s0], s1  }
0x2e: {  	s0 =	simm.s32 @!p0 $0x1  }
0x2f: {  	_ =	swait.ge @!p0 [sflag:s0], s1  }
0x30: {  	s1 =	ssub.s32 @!p0 $0x0, s1;
	[sflag:s0] =	ssyncset.done @!p0 $0x0  }
0x31: {  	[sflag:s0] =	ssyncadd.s32 @!p0 s1  }
0x32: {  	[bflag:$0x3] =	sbarrier.arrive $0xFFFF  }
0x33: {  	_ =	shalt  }

</sc_bundles>
